<compile_context>
chip_gen: v7x
topology: tpu7x:2x2x1
jax: 0.10.2.dev20260603
libtpu: 0.0.44.dev20260713+nightly
codegen_flags: <defaults>
</compile_context>

<pallas_src>
import functools

import jax
import jax.numpy as jnp
from jax import lax
from jax.experimental import pallas as pl
from jax.experimental.pallas import tpu as pltpu
from jax.experimental.pallas import tpu_sc as plsc

BATCH = 4096
EMBED_DIM = 16
LANES = 16
WAVE = 16


def _sc_gather_sum(user, item, behavior, ut_t, it_t, bt, nrows):
    mesh = plsc.VectorSubcoreMesh(core_axis_name="c", subcore_axis_name="s")
    nc, ns = mesh.num_cores, mesh.num_subcores
    nw = nc * ns
    b_per_w = nrows // nw
    nwaves = b_per_w // WAVE

    @functools.partial(
        pl.kernel,
        out_type=jax.ShapeDtypeStruct((nrows, EMBED_DIM), jnp.float32),
        mesh=mesh,
        scratch_types=[
            pltpu.VMEM((b_per_w + LANES,), jnp.int32),
            pltpu.VMEM((b_per_w + LANES,), jnp.int32),
            pltpu.VMEM((b_per_w,), jnp.int32),
            pltpu.VMEM((WAVE, LANES, 128), jnp.float32),
            pltpu.VMEM((WAVE, LANES, 128), jnp.float32),
            pltpu.VMEM((8, LANES), jnp.float32),
            pltpu.VMEM((b_per_w, EMBED_DIM), jnp.float32),
            pltpu.SemaphoreType.DMA,
        ],
        compiler_params=pltpu.CompilerParams(needs_layout_passes=False),
    )
    def gather_kernel(user_hbm, item_hbm, beh_hbm, ut_hbm, it_hbm, bt_hbm,
                      x_hbm, uidx, iidx, bidx,
                      ublk, iblk, btv, outv, sem):
        wid = lax.axis_index("s") * nc + lax.axis_index("c")
        base = wid * b_per_w
        c1 = pltpu.async_copy(user_hbm.at[pl.ds(base, b_per_w)],
                              uidx.at[pl.ds(0, b_per_w)], sem)
        c2 = pltpu.async_copy(item_hbm.at[pl.ds(base, b_per_w)],
                              iidx.at[pl.ds(0, b_per_w)], sem)
        c3 = pltpu.async_copy(beh_hbm.at[pl.ds(base, b_per_w)], bidx, sem)
        c4 = pltpu.async_copy(bt_hbm, btv, sem)
        c1.wait()
        c2.wait()
        c3.wait()
        c4.wait()

        lane = lax.iota(jnp.int32, LANES)

        def wave_body(w, carry):
            w0 = w * WAVE

            def fire_body(k, carry2):
                j = w0 + k
                uj = uidx[pl.ds(j, LANES)][0]
                ij = iidx[pl.ds(j, LANES)][0]
                ua = pl.multiple_of(jnp.bitwise_and(uj, ~127), 128)
                ia = pl.multiple_of(jnp.bitwise_and(ij, ~127), 128)
                pltpu.async_copy(ut_hbm.at[:, pl.ds(ua, 128)], ublk.at[k], sem)
                pltpu.async_copy(it_hbm.at[:, pl.ds(ia, 128)], iblk.at[k], sem)
                return carry2

            lax.fori_loop(0, WAVE, fire_body, 0)

            def drain_body(k, carry2):
                pltpu.make_async_copy(
                    ut_hbm.at[:, pl.ds(0, 128)], ublk.at[k], sem).wait()
                pltpu.make_async_copy(
                    it_hbm.at[:, pl.ds(0, 128)], iblk.at[k], sem).wait()
                return carry2

            lax.fori_loop(0, WAVE, drain_body, 0)

            def row_body(k, carry2):
                j = w0 + k
                j16 = jnp.full((LANES,), j, dtype=jnp.int32)
                k16 = jnp.full((LANES,), k, dtype=jnp.int32)
                uo = jnp.bitwise_and(plsc.load_gather(uidx, [j16]), 127)
                io = jnp.bitwise_and(plsc.load_gather(iidx, [j16]), 127)
                br = plsc.load_gather(bidx, [j16])
                u = plsc.load_gather(ublk, [k16, lane, uo])
                iv = plsc.load_gather(iblk, [k16, lane, io])
                bv = plsc.load_gather(btv, [br, lane])
                outv[j, :] = u + iv + bv
                return carry2

            lax.fori_loop(0, WAVE, row_body, 0)
            return carry

        lax.fori_loop(0, nwaves, wave_body, 0)
        pltpu.sync_copy(outv, x_hbm.at[pl.ds(base, b_per_w)])

    return gather_kernel(user, item, behavior, ut_t, it_t, bt)


def _tc_gcn(adj, x, w_t, b2d, block_m=512):
    def body(adj_ref, x_ref, wt_ref, b_ref, out_ref):
        acc = jnp.dot(adj_ref[...], x_ref[...],
                      preferred_element_type=jnp.float32)
        out_ref[...] = jnp.dot(acc, wt_ref[...],
                               preferred_element_type=jnp.float32) + b_ref[...]

    grid = (BATCH // block_m,)
    return pl.pallas_call(
        body,
        grid=grid,
        in_specs=[
            pl.BlockSpec((block_m, BATCH), lambda i: (i, 0)),
            pl.BlockSpec((BATCH, EMBED_DIM), lambda i: (0, 0)),
            pl.BlockSpec((EMBED_DIM, EMBED_DIM), lambda i: (0, 0)),
            pl.BlockSpec((1, EMBED_DIM), lambda i: (0, 0)),
        ],
        out_specs=pl.BlockSpec((block_m, EMBED_DIM), lambda i: (i, 0)),
        out_shape=jax.ShapeDtypeStruct((BATCH, EMBED_DIM), jnp.float32),
    )(adj, x, w_t, b2d)


def kernel(user, item, behavior, adj, user_table, item_table, behavior_table,
           W, b):
    x = _sc_gather_sum(user, item, behavior, user_table.T, item_table.T,
                       behavior_table, BATCH)
    return _tc_gcn(adj, x, W.T, b.reshape(1, EMBED_DIM))

# --- scband reference (transcript-rebuilt; emitter-appended) ---
"""Pipeline reference for scband-recommender-model-73452530696646 (READ-ONLY COPY).

The authoritative reference and input builder live on the scoring server;
editing this copy changes nothing except your own understanding.
"""

import jax, jax.numpy as jnp
import numpy as np

NUM_USERS = 1000000
NUM_ITEMS = 1000000
NUM_BEHAVIORS = 8
EMBED_DIM = 16
BATCH = 4096


def setup_inputs(seed: int = 0) -> dict:
    key = jax.random.key(seed)
    k_user, k_item, k_beh, k_adj, k_ut, k_it, k_bt, k_w, k_b = jax.random.split(key, 9)
    user = jax.random.randint(k_user, (BATCH,), 0, NUM_USERS, dtype=jnp.int64) if jax.config.jax_enable_x64 else jax.random.randint(k_user, (BATCH,), 0, NUM_USERS).astype(jnp.int32)
    item = jax.random.randint(k_item, (BATCH,), 0, NUM_ITEMS).astype(jnp.int32)
    behavior = jax.random.randint(k_beh, (BATCH,), 0, NUM_BEHAVIORS).astype(jnp.int32)
    adj = jax.random.uniform(k_adj, (BATCH, BATCH), dtype=jnp.float32)
    # learned parameters
    user_table = jax.random.normal(k_ut, (NUM_USERS, EMBED_DIM), dtype=jnp.float32) * 0.02
    item_table = jax.random.normal(k_it, (NUM_ITEMS, EMBED_DIM), dtype=jnp.float32) * 0.02
    behavior_table = jax.random.normal(k_bt, (NUM_BEHAVIORS, EMBED_DIM), dtype=jnp.float32) * 0.02
    W = jax.random.normal(k_w, (EMBED_DIM, EMBED_DIM), dtype=jnp.float32) * (1.0 / np.sqrt(EMBED_DIM))
    b = jnp.zeros((EMBED_DIM,), dtype=jnp.float32)
    return {
        "user": user.astype(jnp.int32),
        "item": item,
        "behavior": behavior,
        "adj": adj,
        "user_table": user_table,
        "item_table": item_table,
        "behavior_table": behavior_table,
        "W": W,
        "b": b,
    }


def reference(user, item, behavior, adj, user_table, item_table, behavior_table, W, b):
    # embedding lookups (gather)
    user_emb = jnp.take(user_table, user, axis=0)
    item_emb = jnp.take(item_table, item, axis=0)
    behavior_emb = jnp.take(behavior_table, behavior, axis=0)
    x = user_emb + item_emb + behavior_emb
    # GCN layer: spmm (graph propagation) then linear
    out = adj @ x
    out = out @ W.T + b
    return out

if __name__ == "__main__":
    import jax
    _d = setup_inputs()
    print(jax.jit(kernel)(*tuple(_d.values())))

</pallas_src>

<mosaic_0001>
#map = affine_map<(d0, d1) -> (0)>
#map1 = affine_map<(d0, d1) -> (0, 0)>
module attributes {stable_mosaic.version = 14 : i64} {
  func.func @gather_kernel(%arg0: i32, %arg1: i32, %arg2: memref<4096xi32, #tpu.memory_space<hbm>>, %arg3: memref<4096xi32, #tpu.memory_space<hbm>>, %arg4: memref<4096xi32, #tpu.memory_space<hbm>>, %arg5: memref<16x1000000xf32, #tpu.memory_space<hbm>>, %arg6: memref<16x1000000xf32, #tpu.memory_space<hbm>>, %arg7: memref<8x16xf32, #tpu.memory_space<hbm>>, %arg8: memref<4096x16xf32, #tpu.memory_space<hbm>>, %arg9: memref<144xi32, #tpu.memory_space<vmem>>, %arg10: memref<144xi32, #tpu.memory_space<vmem>>, %arg11: memref<128xi32, #tpu.memory_space<vmem>>, %arg12: memref<16x16x128xf32, #tpu.memory_space<vmem>>, %arg13: memref<16x16x128xf32, #tpu.memory_space<vmem>>, %arg14: memref<8x16xf32, #tpu.memory_space<vmem>>, %arg15: memref<128x16xf32, #tpu.memory_space<vmem>>, %arg16: memref<!tpu.dma_semaphore, #tpu.memory_space<semaphore_mem>>) attributes {dimension_semantics = [#tpu.dimension_semantics<core_parallel>, #tpu.dimension_semantics<subcore_parallel>], iteration_bounds = array<i64: 2, 16>, scalar_prefetch = 0 : i64, scratch_operands = 8 : i64, tpu.core_type = #tpu.core_type<sc_vector_subcore>, window_params = [{transform_indices = #map}, {transform_indices = #map}, {transform_indices = #map}, {transform_indices = #map1}, {transform_indices = #map1}, {transform_indices = #map1}, {transform_indices = #map1}]} {
    %mul3A = arith.constant 2 : i32
    %mul3A_0 = arith.muli %arg1, %mul3A : i32
    %add3A = arith.addi %mul3A_0, %arg0 : i32
    %mul3A_1 = arith.constant 128 : i32
    %mul3A_2 = arith.muli %add3A, %mul3A_1 : i32
    %dma_start3A = arith.constant 0 : i32
    %dma_start3A_3 = tpu.memref_slice %arg9[%dma_start3A] : memref<144xi32, #tpu.memory_space<vmem>> -> memref<128xi32, #tpu.memory_space<vmem>>
    %dma_start3A_4 = tpu.memref_slice %arg2[%mul3A_2] : memref<4096xi32, #tpu.memory_space<hbm>> -> memref<128xi32, #tpu.memory_space<hbm>>
    %dma_start3A_5 = arith.constant 0 : i32
    %dma_start3A_6 = tpu.memref_slice %arg9[%dma_start3A_5] : memref<144xi32, #tpu.memory_space<vmem>> -> memref<128xi32, #tpu.memory_space<vmem>>
    %dma_start3A_7 = tpu.memref_slice %arg2[%mul3A_2] : memref<4096xi32, #tpu.memory_space<hbm>> -> memref<128xi32, #tpu.memory_space<hbm>>
    tpu.enqueue_dma source(%dma_start3A_7 : memref<128xi32, #tpu.memory_space<hbm>>) target(%dma_start3A_6 : memref<128xi32, #tpu.memory_space<vmem>>) target_semaphore(%arg16 : memref<!tpu.dma_semaphore, #tpu.memory_space<semaphore_mem>>)
    %dma_start3A_8 = arith.constant 0 : i32
    %dma_start3A_9 = tpu.memref_slice %arg10[%dma_start3A_8] : memref<144xi32, #tpu.memory_space<vmem>> -> memref<128xi32, #tpu.memory_space<vmem>>
    %dma_start3A_10 = tpu.memref_slice %arg3[%mul3A_2] : memref<4096xi32, #tpu.memory_space<hbm>> -> memref<128xi32, #tpu.memory_space<hbm>>
    %dma_start3A_11 = arith.constant 0 : i32
    %dma_start3A_12 = tpu.memref_slice %arg10[%dma_start3A_11] : memref<144xi32, #tpu.memory_space<vmem>> -> memref<128xi32, #tpu.memory_space<vmem>>
    %dma_start3A_13 = tpu.memref_slice %arg3[%mul3A_2] : memref<4096xi32, #tpu.memory_space<hbm>> -> memref<128xi32, #tpu.memory_space<hbm>>
    tpu.enqueue_dma source(%dma_start3A_13 : memref<128xi32, #tpu.memory_space<hbm>>) target(%dma_start3A_12 : memref<128xi32, #tpu.memory_space<vmem>>) target_semaphore(%arg16 : memref<!tpu.dma_semaphore, #tpu.memory_space<semaphore_mem>>)
    %dma_start3A_14 = tpu.memref_slice %arg4[%mul3A_2] : memref<4096xi32, #tpu.memory_space<hbm>> -> memref<128xi32, #tpu.memory_space<hbm>>
    %dma_start3A_15 = tpu.memref_slice %arg4[%mul3A_2] : memref<4096xi32, #tpu.memory_space<hbm>> -> memref<128xi32, #tpu.memory_space<hbm>>
    tpu.enqueue_dma source(%dma_start3A_15 : memref<128xi32, #tpu.memory_space<hbm>>) target(%arg11 : memref<128xi32, #tpu.memory_space<vmem>>) target_semaphore(%arg16 : memref<!tpu.dma_semaphore, #tpu.memory_space<semaphore_mem>>)
    tpu.enqueue_dma source(%arg7 : memref<8x16xf32, #tpu.memory_space<hbm>>) target(%arg14 : memref<8x16xf32, #tpu.memory_space<vmem>>) target_semaphore(%arg16 : memref<!tpu.dma_semaphore, #tpu.memory_space<semaphore_mem>>)
    %dma_wait3A = arith.constant 0 : i32
    %dma_wait3A_16 = tpu.memref_slice %arg9[%dma_wait3A] : memref<144xi32, #tpu.memory_space<vmem>> -> memref<128xi32, #tpu.memory_space<vmem>>
    %dma_wait3A_17 = tpu.memref_slice %arg2[%mul3A_2] : memref<4096xi32, #tpu.memory_space<hbm>> -> memref<128xi32, #tpu.memory_space<hbm>>
    %dma_wait3A_18 = arith.constant 0 : i32
    %dma_wait3A_19 = tpu.memref_slice %arg9[%dma_wait3A_18] : memref<144xi32, #tpu.memory_space<vmem>> -> memref<128xi32, #tpu.memory_space<vmem>>
    %dma_wait3A_20 = tpu.memref_slice %arg2[%mul3A_2] : memref<4096xi32, #tpu.memory_space<hbm>> -> memref<128xi32, #tpu.memory_space<hbm>>
    tpu.wait_dma2 semaphore(%arg16 : memref<!tpu.dma_semaphore, #tpu.memory_space<semaphore_mem>>) src(%dma_wait3A_20 : memref<128xi32, #tpu.memory_space<hbm>>) dst(%dma_wait3A_19 : memref<128xi32, #tpu.memory_space<vmem>>)
    %dma_wait3A_21 = arith.constant 0 : i32
    %dma_wait3A_22 = tpu.memref_slice %arg10[%dma_wait3A_21] : memref<144xi32, #tpu.memory_space<vmem>> -> memref<128xi32, #tpu.memory_space<vmem>>
    %dma_wait3A_23 = tpu.memref_slice %arg3[%mul3A_2] : memref<4096xi32, #tpu.memory_space<hbm>> -> memref<128xi32, #tpu.memory_space<hbm>>
    %dma_wait3A_24 = arith.constant 0 : i32
    %dma_wait3A_25 = tpu.memref_slice %arg10[%dma_wait3A_24] : memref<144xi32, #tpu.memory_space<vmem>> -> memref<128xi32, #tpu.memory_space<vmem>>
    %dma_wait3A_26 = tpu.memref_slice %arg3[%mul3A_2] : memref<4096xi32, #tpu.memory_space<hbm>> -> memref<128xi32, #tpu.memory_space<hbm>>
    tpu.wait_dma2 semaphore(%arg16 : memref<!tpu.dma_semaphore, #tpu.memory_space<semaphore_mem>>) src(%dma_wait3A_26 : memref<128xi32, #tpu.memory_space<hbm>>) dst(%dma_wait3A_25 : memref<128xi32, #tpu.memory_space<vmem>>)
    %dma_wait3A_27 = tpu.memref_slice %arg4[%mul3A_2] : memref<4096xi32, #tpu.memory_space<hbm>> -> memref<128xi32, #tpu.memory_space<hbm>>
    %dma_wait3A_28 = tpu.memref_slice %arg4[%mul3A_2] : memref<4096xi32, #tpu.memory_space<hbm>> -> memref<128xi32, #tpu.memory_space<hbm>>
    tpu.wait_dma2 semaphore(%arg16 : memref<!tpu.dma_semaphore, #tpu.memory_space<semaphore_mem>>) src(%dma_wait3A_28 : memref<128xi32, #tpu.memory_space<hbm>>) dst(%arg11 : memref<128xi32, #tpu.memory_space<vmem>>)
    tpu.wait_dma2 semaphore(%arg16 : memref<!tpu.dma_semaphore, #tpu.memory_space<semaphore_mem>>) src(%arg7 : memref<8x16xf32, #tpu.memory_space<hbm>>) dst(%arg14 : memref<8x16xf32, #tpu.memory_space<vmem>>)
    %iota3A = tpu.iota {dimensions = array<i32: 0>} : vector<16xi32>
    %scan3A = arith.constant 0 : i32
    %scan3A_29 = arith.constant 0 : i32
    %scan3A_30 = arith.constant 8 : i32
    %scan3A_31 = arith.addi %scan3A_29, %scan3A_30 : i32
    %scan3A_32 = arith.constant 1 : i32
    scf.for %scan3A_34 = %scan3A_29 to %scan3A_31 step %scan3A_32  : i32 {
      %mul3A_35 = arith.constant 16 : i32
      %mul3A_36 = arith.muli %scan3A_34, %mul3A_35 : i32
      %scan3A_37 = arith.constant 0 : i32
      %scan3A_38 = arith.constant 0 : i32
      %scan3A_39 = arith.constant 16 : i32
      %scan3A_40 = arith.addi %scan3A_38, %scan3A_39 : i32
      %scan3A_41 = arith.constant 1 : i32
      scf.for %scan3A_55 = %scan3A_38 to %scan3A_40 step %scan3A_41  : i32 {
        %add3A_56 = arith.addi %mul3A_36, %scan3A_55 : i32
        %get3A = arith.index_cast %add3A_56 : i32 to index
        %get3A_57 = tpu.vector_load %arg9[%get3A] {strides = array<i32>} : memref<144xi32, #tpu.memory_space<vmem>>, vector<16xi32>,
        %slice3A = vector.extract_strided_slice %get3A_57 {offsets = [0], sizes = [1], strides = [1]} : vector<16xi32> to vector<1xi32>
        %squeeze3A = vector.extract %slice3A[0] : i32 from vector<1xi32>
        %get3A_58 = arith.index_cast %add3A_56 : i32 to index
        %get3A_59 = tpu.vector_load %arg10[%get3A_58] {strides = array<i32>} : memref<144xi32, #tpu.memory_space<vmem>>, vector<16xi32>,
        %slice3A_60 = vector.extract_strided_slice %get3A_59 {offsets = [0], sizes = [1], strides = [1]} : vector<16xi32> to vector<1xi32>
        %squeeze3A_61 = vector.extract %slice3A_60[0] : i32 from vector<1xi32>
        %and3A = arith.constant -128 : i32
        %and3A_62 = arith.andi %squeeze3A, %and3A : i32
        %multiple_of3A = tpu.assume_multiple %and3A_62, 128 : i32
        %and3A_63 = arith.constant -128 : i32
        %and3A_64 = arith.andi %squeeze3A_61, %and3A_63 : i32
        %multiple_of3A_65 = tpu.assume_multiple %and3A_64, 128 : i32
        %dma_start3A_66 = arith.constant 0 : i32
        %dma_start3A_67 = arith.constant 0 : i32
        %dma_start3A_68 = tpu.memref_slice %arg12[%scan3A_55, %dma_start3A_66, %dma_start3A_67] : memref<16x16x128xf32, #tpu.memory_space<vmem>> -> memref<1x16x128xf32, #tpu.memory_space<vmem>>
        %dma_start3A_69 = tpu.memref_squeeze %dma_start3A_68 : memref<1x16x128xf32, #tpu.memory_space<vmem>> -> memref<16x128xf32, #tpu.memory_space<vmem>>
        %dma_start3A_70 = arith.constant 0 : i32
        %dma_start3A_71 = tpu.memref_slice %arg5[%dma_start3A_70, %multiple_of3A] : memref<16x1000000xf32, #tpu.memory_space<hbm>> -> memref<16x128xf32, #tpu.memory_space<hbm>>
        %dma_start3A_72 = arith.constant 0 : i32
        %dma_start3A_73 = arith.constant 0 : i32
        %dma_start3A_74 = tpu.memref_slice %arg12[%scan3A_55, %dma_start3A_72, %dma_start3A_73] : memref<16x16x128xf32, #tpu.memory_space<vmem>> -> memref<1x16x128xf32, #tpu.memory_space<vmem>>
        %dma_start3A_75 = tpu.memref_squeeze %dma_start3A_74 : memref<1x16x128xf32, #tpu.memory_space<vmem>> -> memref<16x128xf32, #tpu.memory_space<vmem>>
        %dma_start3A_76 = arith.constant 0 : i32
        %dma_start3A_77 = tpu.memref_slice %arg5[%dma_start3A_76, %multiple_of3A] : memref<16x1000000xf32, #tpu.memory_space<hbm>> -> memref<16x128xf32, #tpu.memory_space<hbm>>
        tpu.enqueue_dma source(%dma_start3A_77 : memref<16x128xf32, #tpu.memory_space<hbm>>) target(%dma_start3A_75 : memref<16x128xf32, #tpu.memory_space<vmem>>) target_semaphore(%arg16 : memref<!tpu.dma_semaphore, #tpu.memory_space<semaphore_mem>>)
        %dma_start3A_78 = arith.constant 0 : i32
        %dma_start3A_79 = arith.constant 0 : i32
        %dma_start3A_80 = tpu.memref_slice %arg13[%scan3A_55, %dma_start3A_78, %dma_start3A_79] : memref<16x16x128xf32, #tpu.memory_space<vmem>> -> memref<1x16x128xf32, #tpu.memory_space<vmem>>
        %dma_start3A_81 = tpu.memref_squeeze %dma_start3A_80 : memref<1x16x128xf32, #tpu.memory_space<vmem>> -> memref<16x128xf32, #tpu.memory_space<vmem>>
        %dma_start3A_82 = arith.constant 0 : i32
        %dma_start3A_83 = tpu.memref_slice %arg6[%dma_start3A_82, %multiple_of3A_65] : memref<16x1000000xf32, #tpu.memory_space<hbm>> -> memref<16x128xf32, #tpu.memory_space<hbm>>
        %dma_start3A_84 = arith.constant 0 : i32
        %dma_start3A_85 = arith.constant 0 : i32
        %dma_start3A_86 = tpu.memref_slice %arg13[%scan3A_55, %dma_start3A_84, %dma_start3A_85] : memref<16x16x128xf32, #tpu.memory_space<vmem>> -> memref<1x16x128xf32, #tpu.memory_space<vmem>>
        %dma_start3A_87 = tpu.memref_squeeze %dma_start3A_86 : memref<1x16x128xf32, #tpu.memory_space<vmem>> -> memref<16x128xf32, #tpu.memory_space<vmem>>
        %dma_start3A_88 = arith.constant 0 : i32
        %dma_start3A_89 = tpu.memref_slice %arg6[%dma_start3A_88, %multiple_of3A_65] : memref<16x1000000xf32, #tpu.memory_space<hbm>> -> memref<16x128xf32, #tpu.memory_space<hbm>>
        tpu.enqueue_dma source(%dma_start3A_89 : memref<16x128xf32, #tpu.memory_space<hbm>>) target(%dma_start3A_87 : memref<16x128xf32, #tpu.memory_space<vmem>>) target_semaphore(%arg16 : memref<!tpu.dma_semaphore, #tpu.memory_space<semaphore_mem>>)
      }
      %scan3A_42 = arith.constant 16 : i32
      %scan3A_43 = arith.constant 0 : i32
      %scan3A_44 = arith.constant 0 : i32
      %scan3A_45 = arith.constant 16 : i32
      %scan3A_46 = arith.addi %scan3A_44, %scan3A_45 : i32
      %scan3A_47 = arith.constant 1 : i32
      scf.for %scan3A_55 = %scan3A_44 to %scan3A_46 step %scan3A_47  : i32 {
        %dma_wait3A_56 = arith.constant 0 : i32
        %dma_wait3A_57 = arith.constant 0 : i32
        %dma_wait3A_58 = tpu.memref_slice %arg12[%scan3A_55, %dma_wait3A_56, %dma_wait3A_57] : memref<16x16x128xf32, #tpu.memory_space<vmem>> -> memref<1x16x128xf32, #tpu.memory_space<vmem>>
        %dma_wait3A_59 = tpu.memref_squeeze %dma_wait3A_58 : memref<1x16x128xf32, #tpu.memory_space<vmem>> -> memref<16x128xf32, #tpu.memory_space<vmem>>
        %dma_wait3A_60 = arith.constant 0 : i32
        %dma_wait3A_61 = arith.constant 0 : i32
        %dma_wait3A_62 = tpu.memref_slice %arg5[%dma_wait3A_60, %dma_wait3A_61] : memref<16x1000000xf32, #tpu.memory_space<hbm>> -> memref<16x128xf32, #tpu.memory_space<hbm>>
        %dma_wait3A_63 = arith.constant 0 : i32
        %dma_wait3A_64 = arith.constant 0 : i32
        %dma_wait3A_65 = tpu.memref_slice %arg12[%scan3A_55, %dma_wait3A_63, %dma_wait3A_64] : memref<16x16x128xf32, #tpu.memory_space<vmem>> -> memref<1x16x128xf32, #tpu.memory_space<vmem>>
        %dma_wait3A_66 = tpu.memref_squeeze %dma_wait3A_65 : memref<1x16x128xf32, #tpu.memory_space<vmem>> -> memref<16x128xf32, #tpu.memory_space<vmem>>
        %dma_wait3A_67 = arith.constant 0 : i32
        %dma_wait3A_68 = arith.constant 0 : i32
        %dma_wait3A_69 = tpu.memref_slice %arg5[%dma_wait3A_67, %dma_wait3A_68] : memref<16x1000000xf32, #tpu.memory_space<hbm>> -> memref<16x128xf32, #tpu.memory_space<hbm>>
        tpu.wait_dma2 semaphore(%arg16 : memref<!tpu.dma_semaphore, #tpu.memory_space<semaphore_mem>>) src(%dma_wait3A_69 : memref<16x128xf32, #tpu.memory_space<hbm>>) dst(%dma_wait3A_66 : memref<16x128xf32, #tpu.memory_space<vmem>>)
        %dma_wait3A_70 = arith.constant 0 : i32
        %dma_wait3A_71 = arith.constant 0 : i32
        %dma_wait3A_72 = tpu.memref_slice %arg13[%scan3A_55, %dma_wait3A_70, %dma_wait3A_71] : memref<16x16x128xf32, #tpu.memory_space<vmem>> -> memref<1x16x128xf32, #tpu.memory_space<vmem>>
        %dma_wait3A_73 = tpu.memref_squeeze %dma_wait3A_72 : memref<1x16x128xf32, #tpu.memory_space<vmem>> -> memref<16x128xf32, #tpu.memory_space<vmem>>
        %dma_wait3A_74 = arith.constant 0 : i32
        %dma_wait3A_75 = arith.constant 0 : i32
        %dma_wait3A_76 = tpu.memref_slice %arg6[%dma_wait3A_74, %dma_wait3A_75] : memref<16x1000000xf32, #tpu.memory_space<hbm>> -> memref<16x128xf32, #tpu.memory_space<hbm>>
        %dma_wait3A_77 = arith.constant 0 : i32
        %dma_wait3A_78 = arith.constant 0 : i32
        %dma_wait3A_79 = tpu.memref_slice %arg13[%scan3A_55, %dma_wait3A_77, %dma_wait3A_78] : memref<16x16x128xf32, #tpu.memory_space<vmem>> -> memref<1x16x128xf32, #tpu.memory_space<vmem>>
        %dma_wait3A_80 = tpu.memref_squeeze %dma_wait3A_79 : memref<1x16x128xf32, #tpu.memory_space<vmem>> -> memref<16x128xf32, #tpu.memory_space<vmem>>
        %dma_wait3A_81 = arith.constant 0 : i32
        %dma_wait3A_82 = arith.constant 0 : i32
        %dma_wait3A_83 = tpu.memref_slice %arg6[%dma_wait3A_81, %dma_wait3A_82] : memref<16x1000000xf32, #tpu.memory_space<hbm>> -> memref<16x128xf32, #tpu.memory_space<hbm>>
        tpu.wait_dma2 semaphore(%arg16 : memref<!tpu.dma_semaphore, #tpu.memory_space<semaphore_mem>>) src(%dma_wait3A_83 : memref<16x128xf32, #tpu.memory_space<hbm>>) dst(%dma_wait3A_80 : memref<16x128xf32, #tpu.memory_space<vmem>>)
      }
      %scan3A_48 = arith.constant 16 : i32
      %scan3A_49 = arith.constant 0 : i32
      %scan3A_50 = arith.constant 0 : i32
      %scan3A_51 = arith.constant 16 : i32
      %scan3A_52 = arith.addi %scan3A_50, %scan3A_51 : i32
      %scan3A_53 = arith.constant 1 : i32
      scf.for %scan3A_55 = %scan3A_50 to %scan3A_52 step %scan3A_53  : i32 {
        %add3A_56 = arith.addi %mul3A_36, %scan3A_55 : i32
        %broadcast_in_dim3A = vector.broadcast %add3A_56 : i32 to vector<16xi32>
        %broadcast_in_dim3A_57 = vector.broadcast %scan3A_55 : i32 to vector<16xi32>
        %gather3A = tpu.vector_load_idx %arg9[%broadcast_in_dim3A] : memref<144xi32, #tpu.memory_space<vmem>>[vector<16xi32>], vector<16xi32>,
        %and3A = arith.constant 127 : i32
        %and3A_58 = vector.broadcast %and3A : i32 to vector<16xi32>
        %and3A_59 = arith.andi %gather3A, %and3A_58 : vector<16xi32>
        %gather3A_60 = tpu.vector_load_idx %arg10[%broadcast_in_dim3A] : memref<144xi32, #tpu.memory_space<vmem>>[vector<16xi32>], vector<16xi32>,
        %and3A_61 = arith.constant 127 : i32
        %and3A_62 = vector.broadcast %and3A_61 : i32 to vector<16xi32>
        %and3A_63 = arith.andi %gather3A_60, %and3A_62 : vector<16xi32>
        %gather3A_64 = tpu.vector_load_idx %arg11[%broadcast_in_dim3A] : memref<128xi32, #tpu.memory_space<vmem>>[vector<16xi32>], vector<16xi32>,
        %gather3A_65 = tpu.vector_load_idx %arg12[%broadcast_in_dim3A_57, %iota3A, %and3A_59] : memref<16x16x128xf32, #tpu.memory_space<vmem>>[vector<16xi32>, vector<16xi32>, vector<16xi32>], vector<16xf32>,
        %gather3A_66 = tpu.vector_load_idx %arg13[%broadcast_in_dim3A_57, %iota3A, %and3A_63] : memref<16x16x128xf32, #tpu.memory_space<vmem>>[vector<16xi32>, vector<16xi32>, vector<16xi32>], vector<16xf32>,
        %gather3A_67 = tpu.vector_load_idx %arg14[%gather3A_64, %iota3A] : memref<8x16xf32, #tpu.memory_space<vmem>>[vector<16xi32>, vector<16xi32>], vector<16xf32>,
        %add3A_68 = arith.addf %gather3A_65, %gather3A_66 : vector<16xf32>
        %add3A_69 = arith.addf %add3A_68, %gather3A_67 : vector<16xf32>
        %swap3A = arith.index_cast %add3A_56 : i32 to index
        %swap3A_70 = arith.constant 0 : index
        %swap3A_71 = tpu.vector_load %arg15[%swap3A, %swap3A_70] {strides = array<i32>} : memref<128x16xf32, #tpu.memory_space<vmem>>, vector<16xf32>,
        tpu.vector_store %arg15[%swap3A, %swap3A_70], %add3A_69 {strides = array<i32>} : memref<128x16xf32, #tpu.memory_space<vmem>>, vector<16xf32>,
      }
      %scan3A_54 = arith.constant 16 : i32
    }
    %scan3A_33 = arith.constant 8 : i32
    "tpu.region"() ({
      %run_scoped3A = tpu.sem_alloc : memref<!tpu.dma_semaphore, #tpu.memory_space<semaphore_mem>>
      %dma_start3A_34 = arith.constant 0 : i32
      %dma_start3A_35 = tpu.memref_slice %arg8[%mul3A_2, %dma_start3A_34] : memref<4096x16xf32, #tpu.memory_space<hbm>> -> memref<128x16xf32, #tpu.memory_space<hbm>>
      %dma_start3A_36 = arith.constant 0 : i32
      %dma_start3A_37 = tpu.memref_slice %arg8[%mul3A_2, %dma_start3A_36] : memref<4096x16xf32, #tpu.memory_space<hbm>> -> memref<128x16xf32, #tpu.memory_space<hbm>>
      tpu.enqueue_dma source(%arg15 : memref<128x16xf32, #tpu.memory_space<vmem>>) target(%dma_start3A_37 : memref<128x16xf32, #tpu.memory_space<hbm>>) target_semaphore(%run_scoped3A : memref<!tpu.dma_semaphore, #tpu.memory_space<semaphore_mem>>)
      %dma_wait3A_38 = arith.constant 0 : i32
      %dma_wait3A_39 = tpu.memref_slice %arg8[%mul3A_2, %dma_wait3A_38] : memref<4096x16xf32, #tpu.memory_space<hbm>> -> memref<128x16xf32, #tpu.memory_space<hbm>>
      %dma_wait3A_40 = arith.constant 0 : i32
      %dma_wait3A_41 = tpu.memref_slice %arg8[%mul3A_2, %dma_wait3A_40] : memref<4096x16xf32, #tpu.memory_space<hbm>> -> memref<128x16xf32, #tpu.memory_space<hbm>>
      tpu.wait_dma2 semaphore(%run_scoped3A : memref<!tpu.dma_semaphore, #tpu.memory_space<semaphore_mem>>) src(%arg15 : memref<128x16xf32, #tpu.memory_space<vmem>>) dst(%dma_wait3A_41 : memref<128x16xf32, #tpu.memory_space<hbm>>)
      tpu.yield
    }) : () -> ()
    return
  }
}

module attributes {stable_mosaic.version = 14 : i64} {
  func.func @body(%arg0: i32, %arg1: memref<512x4096xf32, #tpu.memory_space<vmem>>, %arg2: memref<4096x16xf32, #tpu.memory_space<vmem>>, %arg3: memref<16x16xf32, #tpu.memory_space<vmem>>, %arg4: memref<1x16xf32, #tpu.memory_space<vmem>>, %arg5: memref<512x16xf32, #tpu.memory_space<vmem>>) attributes {dimension_semantics = [#tpu.dimension_semantics<arbitrary>], iteration_bounds = array<i64: 8>, scalar_prefetch = 0 : i64, scratch_operands = 0 : i64, tpu.core_type = #tpu.core_type<tc>, window_params = [{transform_indices = @transform_0, window_bounds = array<i64: 512, 4096>}, {pipeline_mode = #tpu.pipeline_mode<synchronous>, transform_indices = @transform_1, window_bounds = array<i64: 4096, 16>}, {pipeline_mode = #tpu.pipeline_mode<synchronous>, transform_indices = @transform_2, window_bounds = array<i64: 16, 16>}, {pipeline_mode = #tpu.pipeline_mode<synchronous>, transform_indices = @transform_3, window_bounds = array<i64: 1, 16>}, {transform_indices = @transform_4, window_bounds = array<i64: 512, 16>}]} {
    %get3A = arith.constant 0 : index
    %get3A_0 = arith.constant 0 : index
    %get3A_1 = vector.load %arg1[%get3A, %get3A_0] : memref<512x4096xf32, #tpu.memory_space<vmem>>, vector<512x4096xf32>
    %get3A_2 = arith.constant 0 : index
    %get3A_3 = arith.constant 0 : index
    %get3A_4 = vector.load %arg2[%get3A_2, %get3A_3] : memref<4096x16xf32, #tpu.memory_space<vmem>>, vector<4096x16xf32>
    %dot_general3A = arith.constant dense<0.000000e+00> : vector<512x16xf32>
    %dot_general3A_5 = tpu.matmul %get3A_1, %get3A_4, %dot_general3A {dimension_numbers = #tpu.dot_dimension_numbers<[1], [0], [0], [1], [0, 0, 1, 1], [], []>, transpose_lhs_hint = false} : vector<512x4096xf32>, vector<4096x16xf32>, vector<512x16xf32> -> vector<512x16xf32>
    %get3A_6 = arith.constant 0 : index
    %get3A_7 = arith.constant 0 : index
    %get3A_8 = vector.load %arg3[%get3A_6, %get3A_7] : memref<16x16xf32, #tpu.memory_space<vmem>>, vector<16x16xf32>
    %dot_general3A_9 = arith.constant dense<0.000000e+00> : vector<512x16xf32>
    %dot_general3A_10 = tpu.matmul %dot_general3A_5, %get3A_8, %dot_general3A_9 {dimension_numbers = #tpu.dot_dimension_numbers<[1], [0], [0], [1], [0, 0, 1, 1], [], []>, transpose_lhs_hint = false} : vector<512x16xf32>, vector<16x16xf32>, vector<512x16xf32> -> vector<512x16xf32>
    %get3A_11 = arith.constant 0 : index
    %get3A_12 = arith.constant 0 : index
    %get3A_13 = vector.load %arg4[%get3A_11, %get3A_12] : memref<1x16xf32, #tpu.memory_space<vmem>>, vector<1x16xf32>
    %add3A = vector.broadcast %get3A_13 : vector<1x16xf32> to vector<512x16xf32>
    %add3A_14 = arith.addf %dot_general3A_10, %add3A : vector<512x16xf32>
    %swap3A = arith.constant 0 : index
    %swap3A_15 = arith.constant 0 : index
    %swap3A_16 = vector.load %arg5[%swap3A, %swap3A_15] : memref<512x16xf32, #tpu.memory_space<vmem>>, vector<512x16xf32>
    tpu.vector_store %arg5[%swap3A, %swap3A_15], %add3A_14 {strides = array<i32>} : memref<512x16xf32, #tpu.memory_space<vmem>>, vector<512x16xf32>,
    return
  }
  func.func @transform_0(%arg0: i32) -> (i32, i32) {
    %c0_i32 = arith.constant 0 : i32
    %c0_i32_0 = arith.constant 0 : i32
    return %arg0, %c0_i32 : i32, i32
  }
  func.func @transform_1(%arg0: i32) -> (i32, i32) {
    %c0_i32 = arith.constant 0 : i32
    %c0_i32_0 = arith.constant 0 : i32
    %c0_i32_1 = arith.constant 0 : i32
    return %c0_i32, %c0_i32_0 : i32, i32
  }
  func.func @transform_2(%arg0: i32) -> (i32, i32) {
    %c0_i32 = arith.constant 0 : i32
    %c0_i32_0 = arith.constant 0 : i32
    %c0_i32_1 = arith.constant 0 : i32
    return %c0_i32, %c0_i32_0 : i32, i32
  }
  func.func @transform_3(%arg0: i32) -> (i32, i32) {
    %c0_i32 = arith.constant 0 : i32
    %c0_i32_0 = arith.constant 0 : i32
    %c0_i32_1 = arith.constant 0 : i32
    return %c0_i32, %c0_i32_0 : i32, i32
  }
  func.func @transform_4(%arg0: i32) -> (i32, i32) {
    %c0_i32 = arith.constant 0 : i32
    %c0_i32_0 = arith.constant 0 : i32
    return %arg0, %c0_i32 : i32, i32
  }
}

</mosaic_0001>

<sc_bundles>
// kernel: kernel.4.cloned.1.call-start
scs
__scs_entry_jumppad:
0x0: {  	(pc) =	sbr.rel $0x88, $3  }
0x1: {  	(tag) =	ssettag $0x0;
	lr =	simm.s32 $0x1  }
0x2: {  	[smem:$0x3F98] =	sst lr;
	_ =	strace $0xD0000000  }
0x3: {  	_ = 	snop  }
0x4: {  	_ = 	snop  }
0x5: {  	_ = 	snop  }
0x6: {  	_ = 	snop  }
0x7: {  	_ = 	snop  }
__scs_overlays_trampoline_lowered:
0x8: {  	[smem:$0x3FA7] =	sst s0  }
0x9: {  	[smem:$0x3FA8] =	sst s1  }
0xa: {  	[smem:$0x3FA9] =	sst s2  }
0xb: {  	[smem:$0x3FAA] =	sst s3  }
0xc: {  	[smem:$0x3FAB] =	sst s4  }
0xd: {  	[smem:$0x3FAC] =	sst s5  }
0xe: {  	[smem:$0x3FAD] =	sst s6  }
0xf: {  	[smem:$0x3FAE] =	sst s7  }
0x10: {  	[smem:$0x3FAF] =	sst s8  }
0x11: {  	[smem:$0x3FB0] =	sst s9;
	s0 =	simm.s32 @!p0 $0x0  }
0x12: {  	s1 =	sld [smem:$0x3F96];
	s0 =	simm.s32 @p0 $0x1  }
0x13: {  	[smem:$0x3FB1] =	sst s0;
	s0 =	simm.s32 @!p1 $0x0  }
0x14: {  	s2 =	sld [smem:$0x3F95];
	s0 =	simm.s32 @p1 $0x1  }
0x15: {  	[smem:$0x3FB2] =	sst s0;
	s0 =	simm.s32 @!p2 $0x0  }
0x16: {  	s3 =	sld [smem:$0x3FDB];
	s0 =	simm.s32 @p2 $0x1  }
0x17: {  	s4 =	simm.s32 $0x1BF5;
	[smem:$0x3FB4] =	sst s0  }
0x18: {  	s0 =	sld [smem:$0x3F97];
	_ =	swait.ge [sflag:s4], $0x0  }
0x19: {  	s7 =	sld [smem:$0x3F98]  }
0x1a: {  	s8 =	sadd.s32 $0xFFFFE003, lr  }
0x1b: {  	s9 =	sadd.s32 $0xFFFFFEF7, lr;
	s5 =	simm.s32 $0xFFFFFFFF;
	p2 =	slt.u32 s8, $0xFFFFF086  }
0x1c: {  	p1 =	slt.u32 s9, $0xF7A;
	s5 =	simm.s32 @!p2 $0x0  }
0x1d: {  	s5 =	simm.s32 @p1 $0x1;
	p0 =	seq.s32 s7, s2  }
0x1e: {  	s7 =	smul.u32 @!p0 $0xF7A, s2;
	p2 =	seq.s32 @!p0 s5, $0x0  }
0x1f: {  	s9 =	smul.u32 $0xF7A, s1;
	s8 =	simm.s32 @!p0 $0x1BF5;
	p2 =	por !p2, p0  }
0x20: {  	[sflag:s8] =	ssyncset.s32 @!p0 $0xFFFFF086;
	s6 =	sadd.s32 @!p0 s3, s7;
	s7 =	simm.s32 @!p0 $0x108  }
0x21: {  	s3 =	sadd.s32 s3, s9;
	s6 =	sadd.s32 @!p0 $0x88, s6;
	s7 =	simm.s32 @p2 $0x1082  }
0x22: {  	[simem:s7], [sflag:s8] =	dma.local @!p0 [hbm:s6], $0xF7A  }
0x23: {  	s9 =	sor.u32 $0xD0000000, s2;
	s6 =	simm.s32 $0x108;
	_ =	swait.ge @!p0 [sflag:s8], $0x0  }
0x24: {  	s3 =	sadd.s32 $0x88, s3;
	s6 =	simm.s32 @!p1 $0x1082;
	[sflag:s4] =	ssyncset.s32 $0xFFFFF086  }
0x25: {  	[simem:s6], [sflag:s4] =	dma.local [hbm:s3], $0xF7A  }
0x26: {  	[smem:$0x3F98] =	sst s1;
	(tag) =	ssettag s2;
	_ =	strace s9  }
0x27: {  	s1 =	sld [smem:$0x3FA8]  }
0x28: {  	s2 =	sld [smem:$0x3FA9]  }
0x29: {  	s4 =	sld [smem:$0x3FAB]  }
0x2a: {  	p0 =	seq.s32 s5, $0x0;
	s5 =	sld [smem:$0x3FAC]  }
0x2b: {  	s6 =	sld [smem:$0x3FAD]  }
0x2c: {  	s7 =	sld [smem:$0x3FAE]  }
0x2d: {  	s3 =	simm.s32 $0x108;
	s8 =	sld [smem:$0x3FAF]  }
0x2e: {  	s3 =	simm.s32 @!p0 $0x1082;
	s9 =	sld [smem:$0x3FB0]  }
0x2f: {  	lr =	sadd.s32 s0, s3;
	s0 =	sld [smem:$0x3FA7]  }
0x30: {  	s3 =	sld [smem:$0x3FAA]  }
0x31: {  	[smem:$0x3FB3] =	sst s10  }
0x32: {  	s10 =	sld [smem:$0x3FB1];
	_ =	sdelay $0x3  }
0x33: {  	p0 =	seq.s32 s10, $0x1;
	s10 =	sld [smem:$0x3FB3];
	_ =	sdelay $0x3  }
0x34: {  	[smem:$0x3FB3] =	sst s10  }
0x35: {  	s10 =	sld [smem:$0x3FB2];
	_ =	sdelay $0x3  }
0x36: {  	p1 =	seq.s32 s10, $0x1;
	s10 =	sld [smem:$0x3FB3];
	_ =	sdelay $0x3  }
0x37: {  	[smem:$0x3FB3] =	sst s10  }
0x38: {  	s10 =	sld [smem:$0x3FB4]  }
0x39: {  	_ = 	snop;
	(pc) =	sbr.ind lr, $3  }
0x3a: {  	_ = 	snop  }
0x3b: {  	_ = 	snop  }
0x3c: {  	p2 =	seq.s32 s10, $0x1;
	s10 =	sld [smem:$0x3FB3]  }
0x3d: {  	_ =	shalt  }
0x3e: {  	_ =	shalt  }
0x3f: {  	_ =	shalt  }
0x40: {  	_ =	shalt  }
0x41: {  	_ =	shalt  }
0x42: {  	_ =	shalt  }
0x43: {  	_ =	shalt  }
0x44: {  	_ =	shalt  }
0x45: {  	_ =	shalt  }
0x46: {  	_ =	shalt  }
0x47: {  	_ =	shalt  }
0x48: {  	_ =	shalt  }
0x49: {  	_ =	shalt  }
0x4a: {  	_ =	shalt  }
0x4b: {  	_ =	shalt  }
0x4c: {  	_ =	shalt  }
0x4d: {  	_ =	shalt  }
0x4e: {  	_ =	shalt  }
0x4f: {  	_ =	shalt  }
0x50: {  	_ =	shalt  }
0x51: {  	_ =	shalt  }
0x52: {  	_ =	shalt  }
0x53: {  	_ =	shalt  }
0x54: {  	_ =	shalt  }
0x55: {  	_ =	shalt  }
0x56: {  	_ =	shalt  }
0x57: {  	_ =	shalt  }
0x58: {  	_ =	shalt  }
0x59: {  	_ =	shalt  }
0x5a: {  	_ =	shalt  }
0x5b: {  	_ =	shalt  }
0x5c: {  	_ =	shalt  }
0x5d: {  	_ =	shalt  }
0x5e: {  	_ =	shalt  }
0x5f: {  	_ =	shalt  }
0x60: {  	_ =	shalt  }
0x61: {  	_ =	shalt  }
0x62: {  	_ =	shalt  }
0x63: {  	_ =	shalt  }
0x64: {  	_ =	shalt  }
0x65: {  	_ =	shalt  }
0x66: {  	_ =	shalt  }
0x67: {  	_ =	shalt  }
0x68: {  	_ =	shalt  }
0x69: {  	_ =	shalt  }
0x6a: {  	_ =	shalt  }
0x6b: {  	_ =	shalt  }
0x6c: {  	_ =	shalt  }
0x6d: {  	_ =	shalt  }
0x6e: {  	_ =	shalt  }
0x6f: {  	_ =	shalt  }
0x70: {  	_ =	shalt  }
0x71: {  	_ =	shalt  }
0x72: {  	_ =	shalt  }
0x73: {  	_ =	shalt  }
0x74: {  	_ =	shalt  }
0x75: {  	_ =	shalt  }
0x76: {  	_ =	shalt  }
0x77: {  	_ =	shalt  }
0x78: {  	_ =	shalt  }
0x79: {  	_ =	shalt  }
0x7a: {  	_ =	shalt  }
0x7b: {  	_ =	shalt  }
0x7c: {  	_ =	shalt  }
0x7d: {  	_ =	shalt  }
0x7e: {  	_ =	shalt  }
0x7f: {  	_ =	shalt  }
0x80: {  	_ =	shalt  }
0x81: {  	_ =	shalt  }
0x82: {  	_ =	shalt  }
0x83: {  	_ =	shalt  }
0x84: {  	_ =	shalt  }
0x85: {  	_ =	shalt  }
0x86: {  	_ =	shalt  }
0x87: {  	_ =	shalt  }
.Lfunc_end0:
.L_simem_size_0:
called_computation_lowered:
.L_overlay_start_0:
0x88: {  	s2 =	sld [smem:$0x3FD9]  }
0x89: {  	s3 =	sld [smem:$0x3FFE];
	_ =	sdelay $0x1  }
0x8a: {  	s1 =	srdreg.scid  }
0x8b: {  	s0 =	sand.u32 $0x1, s1  }
0x8c: {  	s17 =	sshll.u32 s0, $0xA;
	s2 =	sadd.s32 s3, s2  }
0x8d: {  	s2 =	sadd.s32 s2, s17  }
0x8e: {  	[smem:$0x3FBF] =	sst s2  }
0x8f: {  	_ = 	snop  }
0x90: {  	s2 =	sld [smem:$0x3FC9]  }
0x91: {  	s18 =	sld [smem:$0x3FC8]  }
0x92: {  	s4 =	sld [smem:$0x3FC7]  }
0x93: {  	s5 =	sld [smem:$0x3FC5]  }
0x94: {  	s6 =	sld [smem:$0x3FC4]  }
0x95: {  	s7 =	sld [smem:$0x3FC3];
	(tm) =	ssettm $0x1  }
0x96: {  	s8 =	sld [smem:$0x3FFB];
	_ =	sdelay $0x3  }
0x97: {  	_ =	strace s8  }
0x98: {  	s8 =	sld [smem:$0x3FFC];
	_ =	sdelay $0x3  }
0x99: {  	_ =	strace s8  }
0x9a: {  	s8 =	sld [smem:$0x3FFD];
	_ =	sdelay $0x3  }
0x9b: {  	_ =	strace s8  }
0x9c: {  	_ =	strace $0x8FFFFFFF  }
0x9d: {  	s19 =	sld [smem:$0x3FDB];
	_ =	sdelay $0x1  }
0x9e: {  	s9 =	simm.s32 $_scs_section_size  }
0x9f: {  	s10 =	simm.s32 $_size__tile_overlayer_lowered;
	s11 =	simm.s32 $_tile_overlayer_lowered  }
0xa0: {  	s22 =	simm.s32 $0x1BFF;
	s21 =	sshll.u32 s11, $0x1;
	s8 =	sadd.s32 s9, s19  }
0xa1: {  	s12 =	simm.s32 $0x0;
	s20 =	sshll.u32 s10, $0x1;
	s10 =	sadd.s32 s21, s8  }
0xa2: {  	[timem:s12], [sflag:s22] =	dma.local [hbm:s10], s20  }
0xa3: {  	_ =	swait.ge [sflag:s22], s20  }
0xa4: {  	s9 =	ssub.s32 $0x0, s20;
	[sflag:s22] =	ssyncset.done $0x0  }
0xa5: {  	[sflag:s22] =	ssyncadd.s32 s9;
	_ =	sdelay $0x1  }
0xa6: {  	s23 =	simm.s32 $0x1B8B  }
0xa7: {  	_ =	swait.ge [sflag:s23], $0x1  }
0xa8: {  	[sflag:s23] =	ssyncset.done $0x0  }
0xa9: {  	s25 =	simm.s32 $0x1B8E;
	s24 =	sld [smem:$0x3FFE];
	[sflag:s23] =	ssyncadd.s32 $0xFFFFFFFF  }
0xaa: {  	s26 =	simm.s32 $execute0_lowered;
	[smem:$0x3FD2] =	sst s25  }
0xab: {  	s10 =	sshll.u32 s26, $0x1;
	_ =	strace $0x80000046;
	[dreg:$0x1] =	wrdreg $0xFFFFFFFF  }
0xac: {  	s28 =	simm.s32 $_size_execute0_lowered;
	s8 =	sadd.s32 s8, s10;
	[dreg:$0x0] =	wrdreg $0x0  }
0xad: {  	s10 =	sshll.u32 s28, $0x1;
	[dreg:$0x2] =	wrdreg s8  }
0xae: {  	[dreg:$0x3] =	wrdreg s10  }
0xaf: {  	[dreg:$0x4] =	wrdreg $0xC0  }
0xb0: {  	_ =	task [dreg:s12], $0x5FFFF  }
0xb1: {  	[dreg:$0x1] =	wrdreg $0xFFFFFFFF  }
0xb2: {  	[dreg:$0x0] =	wrdreg $0x60  }
0xb3: {  	[dreg:$0x2] =	wrdreg s2  }
0xb4: {  	[dreg:$0x3] =	wrdreg s18  }
0xb5: {  	[dreg:$0x4] =	wrdreg s4  }
0xb6: {  	[dreg:$0x5] =	wrdreg s5  }
0xb7: {  	[dreg:$0x6] =	wrdreg s6  }
0xb8: {  	[dreg:$0x7] =	wrdreg s7  }
0xb9: {  	[dreg:$0x8] =	wrdreg s24  }
0xba: {  	[dreg:$0x9] =	wrdreg $0x9  }
0xbb: {  	_ =	task.clear_ibuf [dreg:s12], $0xAFFFF;
	_ =	strace $0x90000046  }
0xbc: {  	s29 =	simm.s32 $0x9;
	_ =	strace $0x80000048  }
0xbd: {  	_ =	swait.ge [sflag:s29], $0x1  }
0xbe: {  	[sflag:s29] =	ssyncadd.s32 $0xFFFFFFFF  }
0xbf: {  	_ =	strace $0x90000048  }
0xc0: {  	_ =	sfence  }
0xc1: {  	s30 =	sld [smem:$0x0];
	_ =	sdelay $0x2  }
0xc2: {  	s31 =	sshll.u32 s1, $0xD;
	s1 =	sshrl.u32 s1, $0x2  }
0xc3: {  	s3 =	sand.u32 $0x4000, s31;
	s1 =	sadd.s32 s1, s30  }
0xc4: {  	s0 =	sor.u32 s3, s0;
	s1 =	sshll.u32 s1, $0x11  }
0xc5: {  	s0 =	sor.u32 s1, s0  }
0xc6: {  	s0 =	sadd.s32 $0x8F2B, s0  }
0xc7: {  	[sflag:s0] =	ssyncadd.remote.s32 $0x1  }
0xc8: {  	_ =	sfence.sel $0xFFFF  }
0xc9: {  	[dreg:$0x0] =	wrdreg $0xFFFFFFFF;
	(pc) =	sbr.abs _section_cstart, $3  }
0xca: {  	[dreg:$0x1] =	wrdreg $0xFFFFFFFF  }
0xcb: {  	_ =	task.clear_ibuf [dreg:s12], $0x2FFFF;
	_ =	strace $0x9FFFFFFF  }
0xcc: {  	(tm) =	ssettm $0x7FFFFFFF  }
0xcd: {  	_ =	shalt  }
tec
execute0_lowered:
.L_overlay_start_1:
0x0: {  	(tag) =	ssettag $0x1  }
0x1: {  	s6 =	rddreg [dreg:$0x0]  }
0x2: {  	s7 =	rddreg [dreg:$0x1]  }
0x3: {  	s8 =	rddreg [dreg:$0x2]  }
0x4: {  	s1 =	rddreg [dreg:$0x3]  }
0x5: {  	s2 =	rddreg [dreg:$0x4]  }
0x6: {  	s3 =	rddreg [dreg:$0x5]  }
0x7: {  	s9 =	rddreg [dreg:$0x6];
	s10 =	srdreg.scid  }
0x8: {  	s5 =	simm.s32 $0x0;
	s4 =	stileid.u32;
	s14 =	simm.s32 $0x400  }
0x9: {  	s15 =	simm.s32 $0x7A1400;
	s16 =	simm.s32 $0x100;
	s17 =	simm.s32 $0x280  }
0xa: {  	s18 =	simm.s32 $0x8280;
	s19 =	simm.s32 $0x10680;
	s20 =	simm.s32 $0x2  }
0xb: {  	s21 =	simm.s32 $0x0;
	s10 =	sand.u32 $0x1, s10;
	[smem:$0x7FF] =	sst s5  }
0xc: {  	s11 =	sshll.u32 s4, $0x8;
	s12 =	sshll.u32 s10, $0x7;
	s10 =	ssub.s32 $0x2, s10  }
0xd: {  	_ =	strace $0x80000047;
	s11 =	sor.u32 s12, s11;
	s13 =	sshrl.u32 s10, $0x1  }
0xe: {  	s12 =	sshll.u32 s11, $0x4;
	s11 =	sshrl.u32 s11, $0x3;
	s10 =	ssub.s32 s10, s13  }
0xf: {  	s13 =	simm.s32 $0x1;
	s9 =	sadd.s32 s12, s9;
	s6 =	sadd.s32 s6, s11  }
0x10: {  	v0 =	vlaneseq.u32;
	s7 =	sadd.s32 s7, s11;
	s8 =	sadd.s32 s8, s11;
	s10 =	smax.u32 s10, $0x1  }
0x11: {  	v1 =	vmul.u32 $0x80, v0;
	s11 =	simm.s32 $0x200;
	s12 =	simm.s32 $0x10280;
	s9 =	sadd.s32 $0xA00, s9  }
.LBB2_1:
0x12: {  	[tilespmem:s5], [sflag:$0x1] =	stream.linear.gather [hbm4b:s6+s5], $0x80, $0x38;
	[tilespmem:$0x14680] =	vst v63  }
0x13: {  	_ = 	snop  }
0x14: {  	[tilespmem:s16], [sflag:$0x1] =	stream.linear.gather [hbm4b:s7+s5], $0x80, $0x38;
	[tilespmem:$0x14680] =	vst v63  }
0x15: {  	_ = 	snop  }
0x16: {  	[tilespmem:s11], [sflag:$0x1] =	stream.linear.gather [hbm4b:s8+s5], $0x80, $0x38;
	[tilespmem:$0x14680] =	vst v63  }
0x17: {  	_ = 	snop  }
0x18: {  	[tilespmem:s12], [sflag:$0x1] =	stream.linear.gather [hbm4b:s3+s5], $0x400, $0x38;
	[tilespmem:$0x14680] =	vst v63  }
0x19: {  	_ =	swait.ge [sflag:s13], $0x80  }
0x1a: {  	[sflag:s13] =	ssyncset.done $0x0  }
0x1b: {  	[sflag:s13] =	ssyncadd.s32 $0xFFFFFF80  }
0x1c: {  	_ =	swait.ge [sflag:s13], $0x80  }
0x1d: {  	[sflag:s13] =	ssyncset.done $0x0  }
0x1e: {  	[sflag:s13] =	ssyncadd.s32 $0xFFFFFF80  }
0x1f: {  	_ =	swait.ge [sflag:s13], $0x80  }
0x20: {  	[sflag:s13] =	ssyncset.done $0x0  }
0x21: {  	[sflag:s13] =	ssyncadd.s32 $0xFFFFFF80  }
0x22: {  	s22 =	simm.s32 $0x10680;
	_ =	swait.ge [sflag:s13], $0x400  }
0x23: {  	s23 =	simm.s32 $0x0;
	s24 =	simm.s32 $0x0;
	[sflag:s13] =	ssyncset.done $0x0  }
0x24: {  	s25 =	simm.s32 $0x100;
	s26 =	simm.s32 $0x0;
	[sflag:s13] =	ssyncadd.s32 $0xFFFFFC00  }
.LBB2_2:
0x25: {  	v3 =	vmov s24  }
0x26: {  	v2 =	vmov s25;
	_ =	sdelay $0x2  }
0x27: {  	s28 =	simm.s32 $0x0  }
0x28: {  	v4 =	vld.idx.msk [tilespmem:v3+s28+$0x0 ss:$0x1], $0xffff  }
0x29: {  	v5 =	vld.idx.msk [tilespmem:v2+s28+$0x0 ss:$0x1], $0xffff;
	_ =	sdelay $0x3  }
0x2a: {  	(v2sf) =	vpush v4, $0x0  }
0x2b: {  	(v2sf) =	vpush v5, $0x0;
	_ =	sdelay $0xd  }
0x2c: {  	s28 =	spop (v2sf)  }
0x2d: {  	s29 =	sand.u32 $0xFFFFF80, s28;
	s30 =	spop (v2sf)  }
0x2e: {  	s28 =	simm.s32 $0x280;
	s29 =	sadd.s32 s1, s29;
	s30 =	sand.u32 $0xFFFFF80, s30  }
0x2f: {  	[tilespmem:s28], [sflag:$0x1] =	stream.strided.gather [hbm4b:s29+s14], $0x800, s15, s14, $0x38;
	[tilespmem:$0x14680] =	vst v63  }
0x30: {  	s31 =	simm.s32 $0x1;
	s29 =	simm.s32 $0x8280;
	s30 =	sadd.s32 s2, s30  }
0x31: {  	[tilespmem:s29], [sflag:$0x1] =	stream.strided.gather [hbm4b:s30+s14], $0x800, s15, s14, $0x38;
	[tilespmem:$0x14680] =	vst v63  }
0x32: {  	s30 =	simm.s32 $0x8;
	v4 =	vld.idx.msk [tilespmem:v3+s31+$0x0 ss:$0x1], $0xffff  }
.LBB2_3:
0x33: {  	p0 =	sne.s32 s30, $0x3C;
	v5 =	vld.idx.msk [tilespmem:v2+s31+$0x0 ss:$0x1], $0xffff;
	_ =	sdelay $0x4  }
0x34: {  	(v2sf) =	vpush v4, $0x0  }
0x35: {  	(v2sf) =	vpush v5, $0x0;
	_ =	sdelay $0xd  }
0x36: {  	s31 =	spop (v2sf)  }
0x37: {  	s28 =	sadd.s32 $0x800, s28;
	s31 =	sand.u32 $0xFFFFF80, s31;
	s0 =	spop (v2sf)  }
.Ltmp0:
0x38: {  	s31 =	sadd.s32 s1, s31;
	s0 =	sand.u32 $0xFFFFF80, s0;
	(pc) =	sbr.rel @p0 .LBB2_3-.Ltmp0, $4  }
0x39: {  	[tilespmem:s28], [sflag:$0x1] =	stream.strided.gather [hbm4b:s31+s14], $0x800, s15, s14, $0x38;
	[tilespmem:$0x14680] =	vst v63  }
0x3a: {  	s29 =	sadd.s32 $0x800, s29;
	s31 =	sshra.s32 s30, $0x2;
	s0 =	sadd.s32 s2, s0  }
0x3b: {  	[tilespmem:s29], [sflag:$0x1] =	stream.strided.gather [hbm4b:s0+s14], $0x800, s15, s14, $0x38;
	[tilespmem:$0x14680] =	vst v63  }
0x3c: {  	s30 =	sadd.s32 $0x4, s30;
	v4 =	vld.idx.msk [tilespmem:v3+s31+$0x0 ss:$0x1], $0xffff  }
0x3d: {  	_ =	sdelay $0x3  }
0x3e: {  	v2 =	vld.idx.msk [tilespmem:v2+s31+$0x0 ss:$0x1], $0xffff;
	_ =	sdelay $0x3  }
0x3f: {  	(v2sf) =	vpush v4, $0x0  }
0x40: {  	(v2sf) =	vpush v2, $0x0;
	_ =	sdelay $0xd  }
0x41: {  	s0 =	spop (v2sf)  }
0x42: {  	s0 =	sand.u32 $0xFFFFF80, s0;
	s30 =	spop (v2sf)  }
0x43: {  	s28 =	sadd.s32 $0x800, s28;
	s0 =	sadd.s32 s1, s0;
	s30 =	sand.u32 $0xFFFFF80, s30  }
0x44: {  	[tilespmem:s28], [sflag:$0x1] =	stream.strided.gather [hbm4b:s0+s14], $0x800, s15, s14, $0x38;
	[tilespmem:$0x14680] =	vst v63  }
0x45: {  	s31 =	sadd.s32 s2, s30;
	s28 =	sadd.s32 $0x800, s29  }
0x46: {  	[tilespmem:s28], [sflag:$0x1] =	stream.strided.gather [hbm4b:s31+s14], $0x800, s15, s14, $0x38;
	[tilespmem:$0x14680] =	vst v63  }
0x47: {  	_ =	swait.ge [sflag:s13], $0x800  }
0x48: {  	[sflag:s13] =	ssyncset.done $0x0  }
0x49: {  	[sflag:s13] =	ssyncadd.s32 $0xFFFFF800  }
0x4a: {  	_ =	swait.ge [sflag:s13], $0x800  }
0x4b: {  	[sflag:s13] =	ssyncset.done $0x0  }
0x4c: {  	[sflag:s13] =	ssyncadd.s32 $0xFFFFF800  }
0x4d: {  	_ =	swait.ge [sflag:s13], $0x800  }
0x4e: {  	[sflag:s13] =	ssyncset.done $0x0  }
0x4f: {  	[sflag:s13] =	ssyncadd.s32 $0xFFFFF800  }
0x50: {  	_ =	swait.ge [sflag:s13], $0x800  }
0x51: {  	[sflag:s13] =	ssyncset.done $0x0  }
0x52: {  	[sflag:s13] =	ssyncadd.s32 $0xFFFFF800  }
0x53: {  	_ =	swait.ge [sflag:s13], $0x800  }
0x54: {  	[sflag:s13] =	ssyncset.done $0x0  }
0x55: {  	[sflag:s13] =	ssyncadd.s32 $0xFFFFF800  }
0x56: {  	_ =	swait.ge [sflag:s13], $0x800  }
0x57: {  	[sflag:s13] =	ssyncset.done $0x0  }
0x58: {  	[sflag:s13] =	ssyncadd.s32 $0xFFFFF800  }
0x59: {  	_ =	swait.ge [sflag:s13], $0x800  }
0x5a: {  	[sflag:s13] =	ssyncset.done $0x0  }
0x5b: {  	[sflag:s13] =	ssyncadd.s32 $0xFFFFF800  }
0x5c: {  	_ =	swait.ge [sflag:s13], $0x800  }
0x5d: {  	[sflag:s13] =	ssyncset.done $0x0  }
0x5e: {  	[sflag:s13] =	ssyncadd.s32 $0xFFFFF800  }
0x5f: {  	_ =	swait.ge [sflag:s13], $0x800  }
0x60: {  	[sflag:s13] =	ssyncset.done $0x0  }
0x61: {  	[sflag:s13] =	ssyncadd.s32 $0xFFFFF800  }
0x62: {  	_ =	swait.ge [sflag:s13], $0x800  }
0x63: {  	[sflag:s13] =	ssyncset.done $0x0  }
0x64: {  	[sflag:s13] =	ssyncadd.s32 $0xFFFFF800  }
0x65: {  	_ =	swait.ge [sflag:s13], $0x800  }
0x66: {  	[sflag:s13] =	ssyncset.done $0x0  }
0x67: {  	[sflag:s13] =	ssyncadd.s32 $0xFFFFF800  }
0x68: {  	_ =	swait.ge [sflag:s13], $0x800  }
0x69: {  	[sflag:s13] =	ssyncset.done $0x0  }
0x6a: {  	[sflag:s13] =	ssyncadd.s32 $0xFFFFF800  }
0x6b: {  	_ =	swait.ge [sflag:s13], $0x800  }
0x6c: {  	[sflag:s13] =	ssyncset.done $0x0  }
0x6d: {  	[sflag:s13] =	ssyncadd.s32 $0xFFFFF800  }
0x6e: {  	_ =	swait.ge [sflag:s13], $0x800  }
0x6f: {  	[sflag:s13] =	ssyncset.done $0x0  }
0x70: {  	[sflag:s13] =	ssyncadd.s32 $0xFFFFF800  }
0x71: {  	_ =	swait.ge [sflag:s13], $0x800  }
0x72: {  	[sflag:s13] =	ssyncset.done $0x0  }
0x73: {  	[sflag:s13] =	ssyncadd.s32 $0xFFFFF800  }
0x74: {  	_ =	swait.ge [sflag:s13], $0x800  }
0x75: {  	[sflag:s13] =	ssyncset.done $0x0  }
0x76: {  	[sflag:s13] =	ssyncadd.s32 $0xFFFFF800  }
0x77: {  	_ =	swait.ge [sflag:s13], $0x800  }
0x78: {  	[sflag:s13] =	ssyncset.done $0x0  }
0x79: {  	[sflag:s13] =	ssyncadd.s32 $0xFFFFF800  }
0x7a: {  	_ =	swait.ge [sflag:s13], $0x800  }
0x7b: {  	[sflag:s13] =	ssyncset.done $0x0  }
0x7c: {  	[sflag:s13] =	ssyncadd.s32 $0xFFFFF800  }
0x7d: {  	_ =	swait.ge [sflag:s13], $0x800  }
0x7e: {  	[sflag:s13] =	ssyncset.done $0x0  }
0x7f: {  	[sflag:s13] =	ssyncadd.s32 $0xFFFFF800  }
0x80: {  	_ =	swait.ge [sflag:s13], $0x800  }
0x81: {  	[sflag:s13] =	ssyncset.done $0x0  }
0x82: {  	[sflag:s13] =	ssyncadd.s32 $0xFFFFF800  }
0x83: {  	_ =	swait.ge [sflag:s13], $0x800  }
0x84: {  	[sflag:s13] =	ssyncset.done $0x0  }
0x85: {  	[sflag:s13] =	ssyncadd.s32 $0xFFFFF800  }
0x86: {  	_ =	swait.ge [sflag:s13], $0x800  }
0x87: {  	[sflag:s13] =	ssyncset.done $0x0  }
0x88: {  	[sflag:s13] =	ssyncadd.s32 $0xFFFFF800  }
0x89: {  	_ =	swait.ge [sflag:s13], $0x800  }
0x8a: {  	[sflag:s13] =	ssyncset.done $0x0  }
0x8b: {  	[sflag:s13] =	ssyncadd.s32 $0xFFFFF800  }
0x8c: {  	_ =	swait.ge [sflag:s13], $0x800  }
0x8d: {  	[sflag:s13] =	ssyncset.done $0x0  }
0x8e: {  	[sflag:s13] =	ssyncadd.s32 $0xFFFFF800  }
0x8f: {  	_ =	swait.ge [sflag:s13], $0x800  }
0x90: {  	[sflag:s13] =	ssyncset.done $0x0  }
0x91: {  	[sflag:s13] =	ssyncadd.s32 $0xFFFFF800  }
0x92: {  	_ =	swait.ge [sflag:s13], $0x800  }
0x93: {  	[sflag:s13] =	ssyncset.done $0x0  }
0x94: {  	[sflag:s13] =	ssyncadd.s32 $0xFFFFF800  }
0x95: {  	_ =	swait.ge [sflag:s13], $0x800  }
0x96: {  	[sflag:s13] =	ssyncset.done $0x0  }
0x97: {  	[sflag:s13] =	ssyncadd.s32 $0xFFFFF800  }
0x98: {  	_ =	swait.ge [sflag:s13], $0x800  }
0x99: {  	[sflag:s13] =	ssyncset.done $0x0  }
0x9a: {  	[sflag:s13] =	ssyncadd.s32 $0xFFFFF800  }
0x9b: {  	_ =	swait.ge [sflag:s13], $0x800  }
0x9c: {  	[sflag:s13] =	ssyncset.done $0x0  }
0x9d: {  	[sflag:s13] =	ssyncadd.s32 $0xFFFFF800  }
0x9e: {  	_ =	swait.ge [sflag:s13], $0x800  }
0x9f: {  	[sflag:s13] =	ssyncset.done $0x0  }
0xa0: {  	[sflag:s13] =	ssyncadd.s32 $0xFFFFF800  }
0xa1: {  	s31 =	sadd.s32 $0x0, s23;
	_ =	swait.ge [sflag:s13], $0x800  }
0xa2: {  	v2 =	vmov s31;
	[sflag:s13] =	ssyncset.done $0x0  }
0xa3: {  	[sflag:s13] =	ssyncadd.s32 $0xFFFFF800  }
0xa4: {  	_ =	swait.ge [sflag:s13], $0x800  }
0xa5: {  	[sflag:s13] =	ssyncset.done $0x0  }
0xa6: {  	[sflag:s13] =	ssyncadd.s32 $0xFFFFF800  }
0xa7: {  	v3 =	vld.idx.msk [tilespmem:v2+s5+$0x0], $0xffff  }
0xa8: {  	v4 =	vld.idx.msk [tilespmem:v2+s16+$0x0], $0xffff;
	_ =	sdelay $0x1  }
0xa9: {  	v2 =	vld.idx.msk [tilespmem:v2+s11+$0x0], $0xffff  }
0xaa: {  	s31 =	simm.s32 $0x0  }
0xab: {  	v5 =	vor.u32 s31, v1;
	v3 =	vand.u32 $0x7F, v3  }
0xac: {  	v4 =	vand.u32 $0x7F, v4;
	v3 =	vor.u32 v5, v3  }
0xad: {  	v4 =	vor.u32 v5, v4  }
0xae: {  	v2 =	vshll.u32 v2, $0x7  }
0xaf: {  	v2 =	vor.u32 v0, v2;
	_ =	sdelay $0x1  }
0xb0: {  	v3 =	vld.idx.msk [tilespmem:v3+s17+$0x0], $0xffff  }
0xb1: {  	v4 =	vld.idx.msk [tilespmem:v4+s18+$0x0], $0xffff;
	_ =	sdelay $0x1  }
0xb2: {  	v2 =	vld.idx.msk [tilespmem:v2+s12+$0x0], $0xffff;
	_ =	sdelay $0x1  }
0xb3: {  	s31 =	sadd.s32 $0x1, s23  }
0xb4: {  	v5 =	vmov s31;
	v3 =	vadd.f32 v4, v3;
	_ =	sdelay $0x1  }
0xb5: {  	v2 =	vadd.f32 v2, v3;
	_ =	sdelay $0x1  }
0xb6: {  	[tilespmem:s22+$0x0] =	vst v2  }
0xb7: {  	v2 =	vld.idx.msk [tilespmem:v5+s5+$0x0], $0xffff;
	_ =	sdelay $0x2  }
0xb8: {  	v3 =	vld.idx.msk [tilespmem:v5+s16+$0x0], $0xffff  }
0xb9: {  	s31 =	simm.s32 $0x800  }
0xba: {  	v4 =	vor.u32 s31, v1;
	v5 =	vld.idx.msk [tilespmem:v5+s11+$0x0], $0xffff;
	v2 =	vand.u32 $0x7F, v2  }
0xbb: {  	v2 =	vor.u32 v4, v2;
	_ =	sdelay $0x1  }
0xbc: {  	v3 =	vand.u32 $0x7F, v3  }
0xbd: {  	v3 =	vor.u32 v4, v3  }
0xbe: {  	v4 =	vshll.u32 v5, $0x7  }
0xbf: {  	v5 =	vld.idx.msk [tilespmem:v2+s17+$0x0], $0xffff;
	v2 =	vor.u32 v0, v4;
	_ =	sdelay $0x2  }
0xc0: {  	v4 =	vld.idx.msk [tilespmem:v3+s18+$0x0], $0xffff;
	_ =	sdelay $0x1  }
0xc1: {  	v3 =	vld.idx.msk [tilespmem:v2+s12+$0x0], $0xffff;
	_ =	sdelay $0x1  }
0xc2: {  	s31 =	sadd.s32 $0x2, s23  }
0xc3: {  	s30 =	simm.s32 $0x3;
	s29 =	smov.u32 s22;
	s28 =	simm.s32 $0x2;
	v2 =	vmov s31;
	v4 =	vadd.f32 v4, v5  }
.LBB2_5:
0xc4: {  	p0 =	sne.s32 s30, $0xF  }
0xc5: {  	v3 =	vadd.f32 v3, v4  }
0xc6: {  	s29 =	sadd.s32 $0x80, s29  }
0xc7: {  	[tilespmem:s29+$0x0] =	vst v3  }
0xc8: {  	v3 =	vld.idx.msk [tilespmem:v2+s5+$0x0], $0xffff  }
0xc9: {  	v4 =	vld.idx.msk [tilespmem:v2+s16+$0x0], $0xffff;
	_ =	sdelay $0x1  }
0xca: {  	v2 =	vld.idx.msk [tilespmem:v2+s11+$0x0], $0xffff;
	_ =	sdelay $0x1  }
0xcb: {  	s0 =	sshll.u32 s28, $0xB;
	s28 =	smov.u32 s30  }
0xcc: {  	v5 =	vor.u32 s0, v1;
	v3 =	vand.u32 $0x7F, v3  }
0xcd: {  	v4 =	vand.u32 $0x7F, v4;
	v3 =	vor.u32 v5, v3  }
0xce: {  	v4 =	vor.u32 v5, v4  }
0xcf: {  	v2 =	vshll.u32 v2, $0x7  }
0xd0: {  	v2 =	vor.u32 v0, v2;
	_ =	sdelay $0x1  }
0xd1: {  	v5 =	vld.idx.msk [tilespmem:v3+s17+$0x0], $0xffff  }
0xd2: {  	v4 =	vld.idx.msk [tilespmem:v4+s18+$0x0], $0xffff;
	_ =	sdelay $0x1  }
.Ltmp1:
0xd3: {  	v3 =	vld.idx.msk [tilespmem:v2+s12+$0x0], $0xffff;
	(pc) =	sbr.rel @p0 .LBB2_5-.Ltmp1, $3  }
0xd4: {  	_ =	sdelay $0x1  }
0xd5: {  	s0 =	sadd.s32 s30, s23  }
0xd6: {  	s30 =	sadd.s32 $0x1, s30;
	v2 =	vmov s0;
	v4 =	vadd.f32 v4, v5  }
0xd7: {  	_ = 	snop  }
0xd8: {  	v3 =	vadd.f32 v3, v4  }
0xd9: {  	s0 =	sadd.s32 $0x80, s29  }
0xda: {  	[tilespmem:s0+$0x0] =	vst v3  }
0xdb: {  	v3 =	vld.idx.msk [tilespmem:v2+s5+$0x0], $0xffff  }
0xdc: {  	v63 =	vld.idx.msk [tilespmem:v2+s16+$0x0], $0xffff;
	_ =	sdelay $0x1  }
0xdd: {  	v2 =	vld.idx.msk [tilespmem:v2+s11+$0x0], $0xffff  }
0xde: {  	s28 =	sshll.u32 s28, $0xB  }
0xdf: {  	v5 =	vor.u32 s28, v1;
	v3 =	vand.u32 $0x7F, v3  }
0xe0: {  	v4 =	vand.u32 $0x7F, v63;
	v3 =	vor.u32 v5, v3  }
0xe1: {  	v4 =	vor.u32 v5, v4  }
0xe2: {  	v2 =	vshll.u32 v2, $0x7  }
0xe3: {  	v2 =	vor.u32 v0, v2;
	_ =	sdelay $0x1  }
0xe4: {  	v3 =	vld.idx.msk [tilespmem:v3+s17+$0x0], $0xffff  }
0xe5: {  	v4 =	vld.idx.msk [tilespmem:v4+s18+$0x0], $0xffff;
	_ =	sdelay $0x1  }
0xe6: {  	v2 =	vld.idx.msk [tilespmem:v2+s12+$0x0], $0xffff  }
0xe7: {  	s26 =	sadd.s32 $0x1, s26  }
0xe8: {  	p0 =	sne.s32 s26, $0x8  }
.Ltmp2:
0xe9: {  	v3 =	vadd.f32 v4, v3;
	(pc) =	sbr.rel @p0 .LBB2_2-.Ltmp2, $4  }
0xea: {  	_ = 	snop  }
0xeb: {  	v2 =	vadd.f32 v2, v3  }
0xec: {  	s25 =	sadd.s32 $0x10, s25;
	s0 =	sadd.s32 $0x80, s0  }
0xed: {  	s24 =	sadd.s32 $0x10, s24;
	s23 =	sadd.s32 $0x10, s23;
	s22 =	sadd.s32 $0x800, s22;
	[tilespmem:s0+$0x0] =	vst v2  }
0xee: {  	s21 =	sadd.s32 $0x1, s21  }
0xef: {  	p0 =	sne.s32 s21, s10  }
.Ltmp3:
0xf0: {  	_ = 	snop;
	(pc) =	sbr.rel @p0 .LBB2_1-.Ltmp3, $4  }
0xf1: {  	[hbm4b:s9+s5] =	stream.linear.scatter [tilespmem:s19], [sflag:$0x2], $0x4000, $0x38;
	[tilespmem:$0x14680] =	vst v63  }
0xf2: {  	_ =	swait.ge [sflag:s20], $0x4000  }
0xf3: {  	[sflag:s20] =	ssyncset.done $0x0  }
0xf4: {  	[sflag:s20] =	ssyncadd.s32 $0xFFFFC000  }
0xf5: {  	_ =	sfence.sel $0x180000  }
0xf6: {  	[bflag:$0x0] =	sbarrier.arrive $0xFFFF  }
0xf7: {  	_ =	strace $0x90000047  }
0xf8: {  	[bflag:$0x2] =	sbarrier.arrive $0xFFFF  }
0xf9: {  	p0 =	sne.s32 s4, $0x0;
	s0 =	rddreg [dreg:$0x7]  }
0xfa: {  	s0 =	sadd.s32 @!p0 $0x100000, s0  }
0xfb: {  	[sflag:s0] =	ssyncadd.tile.s32 @!p0 $0x1;
	_ =	shalt  }
.Lfunc_end2:
_tile_overlayer_lowered:
.L_overlay_start_2:
0xfc: {  	(tag) =	ssettag $0x2  }
0xfd: {  	s0 =	rddreg [dreg:$0x0];
	s2 =	stileid.u32  }
0xfe: {  	s1 =	rddreg [dreg:$0x1];
	p0 =	sne.s32 s2, $0x0  }
0xff: {  	s3 =	rddreg [dreg:$0x2];
	[bflag:$0x3] =	sbarrier.arrive $0xFFFF;
	s2 =	simm.s32 @!p0 $0x1C02  }
0x100: {  	[timem:s3], [sflag:s2] =	dma.local @!p0 [hbm:s0], s1  }
0x101: {  	s0 =	simm.s32 @!p0 $0x2  }
0x102: {  	_ =	swait.ge @!p0 [sflag:s0], s1  }
0x103: {  	s1 =	ssub.s32 @!p0 $0x0, s1;
	[sflag:s0] =	ssyncset.done @!p0 $0x0  }
0x104: {  	[sflag:s0] =	ssyncadd.s32 @!p0 s1  }
0x105: {  	[bflag:$0x3] =	sbarrier.arrive $0xFFFF  }
0x106: {  	_ =	shalt  }

</sc_bundles>
